<compile_context>
chip_gen: v7x
topology: tpu7x:2x2x1
jax: 0.10.2.dev20260603
libtpu: 0.0.44.dev20260713+nightly
codegen_flags: <defaults>
</compile_context>

<pallas_src>
import jax
import jax.numpy as jnp
from jax import lax
from jax.experimental import pallas as pl
from jax.experimental.pallas import tpu as pltpu
from jax.experimental.pallas import tpu_sc as plsc

N_FIELDS_K = 26
N_CAT = 100000
B_TOTAL = 16384
NW = 32
B_PER = B_TOTAL // NW
TAIL = 64
SPLIT = N_FIELDS_K * N_CAT - TAIL
LAST_LEN = N_CAT - TAIL


def _body(x_hbm, wm_hbm, aux_hbm, out_hbm,
          idx_v, vals_v, acc_v, idx25_v, aux_v, sems):
    c = lax.axis_index("c")
    s = lax.axis_index("s")
    wid = s * 2 + c
    base = wid * B_PER

    pltpu.sync_copy(x_hbm.at[:, pl.ds(base, B_PER)], idx_v)
    pltpu.sync_copy(aux_hbm, aux_v)

    def save_clamp(i, _):
        st = i * 16
        v = idx_v[25, pl.ds(st, 16)]
        idx25_v[pl.ds(st, 16)] = v
        idx_v[25, pl.ds(st, 16)] = jnp.minimum(v, LAST_LEN - 1)
        return 0

    lax.fori_loop(0, B_PER // 16, save_clamp, 0)

    def fire(f, _):
        pltpu.async_copy(
            wm_hbm.at[0, pl.ds(f * N_CAT, N_CAT)].at[idx_v.at[f]],
            vals_v.at[f], sems.at[f])
        return 0

    lax.fori_loop(0, N_FIELDS_K - 1, fire, 0)

    pltpu.async_copy(
        wm_hbm.at[0, pl.ds(25 * N_CAT, LAST_LEN)].at[idx_v.at[25]],
        vals_v.at[25], sems.at[25])

    def accum(f, _):
        pltpu.make_async_copy(
            wm_hbm.at[0, pl.ds(0, N_CAT)].at[idx_v.at[0]],
            vals_v.at[f], sems.at[f]).wait()

        def add_chunk(i, _):
            st = i * 16
            acc_v[pl.ds(st, 16)] = acc_v[pl.ds(st, 16)] + vals_v[f, pl.ds(st, 16)]
            return 0

        lax.fori_loop(0, B_PER // 16, add_chunk, 0)
        return 0

    pltpu.make_async_copy(
        wm_hbm.at[0, pl.ds(0, N_CAT)].at[idx_v.at[0]],
        vals_v.at[0], sems.at[0]).wait()
    vbias = aux_v[pl.ds(TAIL, 16)]

    def init_chunk(i, _):
        st = i * 16
        acc_v[pl.ds(st, 16)] = vbias + vals_v[0, pl.ds(st, 16)]
        return 0

    lax.fori_loop(0, B_PER // 16, init_chunk, 0)
    lax.fori_loop(1, N_FIELDS_K - 1, accum, 0)

    pltpu.make_async_copy(
        wm_hbm.at[0, pl.ds(0, N_CAT)].at[idx_v.at[0]],
        vals_v.at[25], sems.at[25]).wait()

    def fix_chunk(i, _):
        st = i * 16
        iv = idx25_v[pl.ds(st, 16)]
        in_tail = iv >= LAST_LEN
        tfix = plsc.load_gather(aux_v, [jnp.minimum(
            jnp.maximum(iv - LAST_LEN, 0), TAIL - 1)])
        v25 = jnp.where(in_tail, tfix, vals_v[25, pl.ds(st, 16)])
        acc_v[pl.ds(st, 16)] = acc_v[pl.ds(st, 16)] + v25
        return 0

    lax.fori_loop(0, B_PER // 16, fix_chunk, 0)

    pltpu.sync_copy(acc_v, out_hbm.at[pl.ds(base, B_PER)])


@jax.jit
def _cat_linear(x_t, w_main, aux):
    mesh = plsc.VectorSubcoreMesh(core_axis_name="c", subcore_axis_name="s")
    f = pl.kernel(
        _body,
        out_type=jax.ShapeDtypeStruct((B_TOTAL,), jnp.float32),
        mesh=mesh,
        compiler_params=pltpu.CompilerParams(
            needs_layout_passes=False,
            skip_device_barrier=True,
            disable_bounds_checks=True,
            disable_semaphore_checks=True,
            use_tc_tiling_on_sc=False,
        ),
        scratch_types=[
            pltpu.VMEM((N_FIELDS_K, B_PER), jnp.int32),
            pltpu.VMEM((N_FIELDS_K, B_PER), jnp.float32),
            pltpu.VMEM((B_PER,), jnp.float32),
            pltpu.VMEM((B_PER,), jnp.int32),
            pltpu.VMEM((TAIL + 16,), jnp.float32),
            pltpu.SemaphoreType.DMA((N_FIELDS_K,)),
        ],
    )
    return f(x_t, w_main, aux)


def kernel(x_cat, W, bias):
    x_t = x_cat.T
    w_row = W.T
    w_main = w_row[:, :SPLIT]
    aux = jnp.concatenate([
        W[SPLIT:, 0],
        jnp.broadcast_to(bias.reshape(()), (16,)).astype(jnp.float32),
    ])
    out = _cat_linear(x_t, w_main, aux)
    return out.reshape(B_TOTAL, 1)

# --- scband reference (transcript-rebuilt; emitter-appended) ---
"""Pipeline reference for scband-cat-linear-65180423684632 (READ-ONLY COPY).

The authoritative reference and input builder live on the scoring server;
editing this copy changes nothing except your own understanding.
"""

import jax, jax.numpy as jnp
import numpy as np

CATEGORIES = [100000] * 26
TOTAL = sum(CATEGORIES)
D_OUT = 1
BATCH = 16384
N_FIELDS = 26

def setup_inputs(seed: int = 0) -> dict:
    key = jax.random.key(seed)
    k1, k2 = jax.random.split(key)
    x_cat = jax.random.randint(k1, (BATCH, N_FIELDS), 0, 100000, dtype=jnp.int64 if jax.config.jax_enable_x64 else jnp.int32).astype(jnp.int32)
    W = jax.random.normal(k2, (TOTAL, D_OUT), dtype=jnp.float32) * 0.01
    bias = jnp.zeros((D_OUT,), dtype=jnp.float32)
    return {"x_cat": x_cat, "W": W, "bias": bias}

def reference(x_cat, W, bias):
    offsets = jnp.cumsum(jnp.asarray([0] + CATEGORIES[:-1], dtype=x_cat.dtype))
    x = x_cat + offsets[None, :]
    emb = jnp.take(W, x, axis=0)  # (B, n, d_out)
    return jnp.sum(emb, axis=1) + bias

if __name__ == "__main__":
    import jax
    _d = setup_inputs()
    print(jax.jit(kernel)(*tuple(_d.values())))

</pallas_src>

<mosaic_0001>
#map = affine_map<(d0, d1) -> (0, 0)>
#map1 = affine_map<(d0, d1) -> (0)>
module attributes {stable_mosaic.version = 14 : i64} {
  func.func @_body(%arg0: i32, %arg1: i32, %arg2: memref<26x16384xi32, #tpu.memory_space<hbm>>, %arg3: memref<1x2599936xf32, #tpu.memory_space<hbm>>, %arg4: memref<80xf32, #tpu.memory_space<hbm>>, %arg5: memref<16384xf32, #tpu.memory_space<hbm>>, %arg6: memref<26x512xi32, #tpu.memory_space<vmem>>, %arg7: memref<26x512xf32, #tpu.memory_space<vmem>>, %arg8: memref<512xf32, #tpu.memory_space<vmem>>, %arg9: memref<512xi32, #tpu.memory_space<vmem>>, %arg10: memref<80xf32, #tpu.memory_space<vmem>>, %arg11: memref<26x!tpu.dma_semaphore, #tpu.memory_space<semaphore_mem>>) attributes {dimension_semantics = [#tpu.dimension_semantics<core_parallel>, #tpu.dimension_semantics<subcore_parallel>], iteration_bounds = array<i64: 2, 16>, scalar_prefetch = 0 : i64, scratch_operands = 6 : i64, tpu.core_type = #tpu.core_type<sc_vector_subcore>, window_params = [{transform_indices = #map}, {transform_indices = #map}, {transform_indices = #map1}, {transform_indices = #map1}]} {
    %mul3A = arith.constant 2 : i32
    %mul3A_0 = arith.muli %arg1, %mul3A : i32
    %add3A = arith.addi %mul3A_0, %arg0 : i32
    %mul3A_1 = arith.constant 512 : i32
    %mul3A_2 = arith.muli %add3A, %mul3A_1 : i32
    "tpu.region"() ({
      %run_scoped3A = tpu.sem_alloc : memref<!tpu.dma_semaphore, #tpu.memory_space<semaphore_mem>>
      %dma_start3A_87 = arith.constant 0 : i32
      %dma_start3A_88 = tpu.memref_slice %arg2[%dma_start3A_87, %mul3A_2] : memref<26x16384xi32, #tpu.memory_space<hbm>> -> memref<26x512xi32, #tpu.memory_space<hbm>>
      %dma_start3A_89 = arith.constant 0 : i32
      %dma_start3A_90 = tpu.memref_slice %arg2[%dma_start3A_89, %mul3A_2] : memref<26x16384xi32, #tpu.memory_space<hbm>> -> memref<26x512xi32, #tpu.memory_space<hbm>>
      tpu.enqueue_dma source(%dma_start3A_90 : memref<26x512xi32, #tpu.memory_space<hbm>>) target(%arg6 : memref<26x512xi32, #tpu.memory_space<vmem>>) target_semaphore(%run_scoped3A : memref<!tpu.dma_semaphore, #tpu.memory_space<semaphore_mem>>)
      %dma_wait3A_91 = arith.constant 0 : i32
      %dma_wait3A_92 = tpu.memref_slice %arg2[%dma_wait3A_91, %mul3A_2] : memref<26x16384xi32, #tpu.memory_space<hbm>> -> memref<26x512xi32, #tpu.memory_space<hbm>>
      %dma_wait3A_93 = arith.constant 0 : i32
      %dma_wait3A_94 = tpu.memref_slice %arg2[%dma_wait3A_93, %mul3A_2] : memref<26x16384xi32, #tpu.memory_space<hbm>> -> memref<26x512xi32, #tpu.memory_space<hbm>>
      tpu.wait_dma2 semaphore(%run_scoped3A : memref<!tpu.dma_semaphore, #tpu.memory_space<semaphore_mem>>) src(%dma_wait3A_94 : memref<26x512xi32, #tpu.memory_space<hbm>>) dst(%arg6 : memref<26x512xi32, #tpu.memory_space<vmem>>)
      tpu.yield
    }) : () -> ()
    "tpu.region"() ({
      %run_scoped3A = tpu.sem_alloc : memref<!tpu.dma_semaphore, #tpu.memory_space<semaphore_mem>>
      tpu.enqueue_dma source(%arg4 : memref<80xf32, #tpu.memory_space<hbm>>) target(%arg10 : memref<80xf32, #tpu.memory_space<vmem>>) target_semaphore(%run_scoped3A : memref<!tpu.dma_semaphore, #tpu.memory_space<semaphore_mem>>)
      tpu.wait_dma2 semaphore(%run_scoped3A : memref<!tpu.dma_semaphore, #tpu.memory_space<semaphore_mem>>) src(%arg4 : memref<80xf32, #tpu.memory_space<hbm>>) dst(%arg10 : memref<80xf32, #tpu.memory_space<vmem>>)
      tpu.yield
    }) : () -> ()
    %scan3A = arith.constant 0 : i32
    %scan3A_3 = arith.constant 0 : i32
    %scan3A_4 = arith.constant 32 : i32
    %scan3A_5 = arith.addi %scan3A_3, %scan3A_4 : i32
    %scan3A_6 = arith.constant 1 : i32
    %scan3A_7 = scf.for %scan3A_87 = %scan3A_3 to %scan3A_5 step %scan3A_6 iter_args(%scan3A_88 = %scan3A) -> (i32)  : i32 {
      %mul3A_89 = arith.constant 16 : i32
      %mul3A_90 = arith.muli %scan3A_87, %mul3A_89 : i32
      %get3A_91 = arith.constant 25 : i32
      %get3A_92 = arith.index_cast %get3A_91 : i32 to index
      %get3A_93 = arith.index_cast %mul3A_90 : i32 to index
      %get3A_94 = tpu.vector_load %arg6[%get3A_92, %get3A_93] {strides = array<i32>} : memref<26x512xi32, #tpu.memory_space<vmem>>, vector<16xi32>,
      %swap3A = arith.index_cast %mul3A_90 : i32 to index
      %swap3A_95 = tpu.vector_load %arg9[%swap3A] {strides = array<i32>} : memref<512xi32, #tpu.memory_space<vmem>>, vector<16xi32>,
      tpu.vector_store %arg9[%swap3A], %get3A_94 {strides = array<i32>} : memref<512xi32, #tpu.memory_space<vmem>>, vector<16xi32>,
      %min3A = arith.constant 99935 : i32
      %min3A_96 = vector.broadcast %min3A : i32 to vector<16xi32>
      %min3A_97 = arith.minsi %get3A_94, %min3A_96 : vector<16xi32>
      %swap3A_98 = arith.constant 25 : i32
      %swap3A_99 = arith.index_cast %swap3A_98 : i32 to index
      %swap3A_100 = arith.index_cast %mul3A_90 : i32 to index
      %swap3A_101 = tpu.vector_load %arg6[%swap3A_99, %swap3A_100] {strides = array<i32>} : memref<26x512xi32, #tpu.memory_space<vmem>>, vector<16xi32>,
      tpu.vector_store %arg6[%swap3A_99, %swap3A_100], %min3A_97 {strides = array<i32>} : memref<26x512xi32, #tpu.memory_space<vmem>>, vector<16xi32>,
      %scan3A_102 = arith.constant 0 : i32
      scf.yield %scan3A_102 : i32
    }
    %scan3A_8 = arith.constant 32 : i32
    %scan3A_9 = arith.constant 0 : i32
    %scan3A_10 = arith.constant 0 : i32
    %scan3A_11 = arith.constant 25 : i32
    %scan3A_12 = arith.addi %scan3A_10, %scan3A_11 : i32
    %scan3A_13 = arith.constant 1 : i32
    %scan3A_14 = scf.for %scan3A_87 = %scan3A_10 to %scan3A_12 step %scan3A_13 iter_args(%scan3A_88 = %scan3A_9) -> (i32)  : i32 {
      %mul3A_89 = arith.constant 100000 : i32
      %mul3A_90 = arith.muli %scan3A_87, %mul3A_89 : i32
      %dma_start3A_91 = arith.constant 0 : i32
      %dma_start3A_92 = arith.constant 0 : i32
      %dma_start3A_93 = tpu.memref_slice %arg7[%scan3A_87, %dma_start3A_92] : memref<26x512xf32, #tpu.memory_space<vmem>> -> memref<1x512xf32, #tpu.memory_space<vmem>>
      %dma_start3A_94 = tpu.memref_squeeze %dma_start3A_93 : memref<1x512xf32, #tpu.memory_space<vmem>> -> memref<512xf32, #tpu.memory_space<vmem>>
      %dma_start3A_95 = arith.constant 0 : i32
      %dma_start3A_96 = tpu.memref_slice %arg6[%scan3A_87, %dma_start3A_95] : memref<26x512xi32, #tpu.memory_space<vmem>> -> memref<1x512xi32, #tpu.memory_space<vmem>>
      %dma_start3A_97 = tpu.memref_squeeze %dma_start3A_96 : memref<1x512xi32, #tpu.memory_space<vmem>> -> memref<512xi32, #tpu.memory_space<vmem>>
      %dma_start3A_98 = tpu.memref_slice %arg3[%dma_start3A_91, %mul3A_90] : memref<1x2599936xf32, #tpu.memory_space<hbm>> -> memref<1x100000xf32, #tpu.memory_space<hbm>>
      %dma_start3A_99 = tpu.memref_squeeze %dma_start3A_98 : memref<1x100000xf32, #tpu.memory_space<hbm>> -> memref<100000xf32, #tpu.memory_space<hbm>>
      %dma_start3A_100 = arith.constant 0 : i32
      %dma_start3A_101 = tpu.memref_slice %dma_start3A_99[%dma_start3A_100] : memref<100000xf32, #tpu.memory_space<hbm>> -> memref<100000xf32, #tpu.memory_space<hbm>>
      %dma_start3A_102 = tpu.memref_slice %arg11[%scan3A_87] : memref<26x!tpu.dma_semaphore, #tpu.memory_space<semaphore_mem>> -> memref<1x!tpu.dma_semaphore, #tpu.memory_space<semaphore_mem>>
      %dma_start3A_103 = tpu.memref_squeeze %dma_start3A_102 : memref<1x!tpu.dma_semaphore, #tpu.memory_space<semaphore_mem>> -> memref<!tpu.dma_semaphore, #tpu.memory_space<semaphore_mem>>
      tpu.enqueue_indirect_dma source(%dma_start3A_101 : memref<100000xf32, #tpu.memory_space<hbm>>) target(%dma_start3A_94 : memref<512xf32, #tpu.memory_space<vmem>>) offsets(%dma_start3A_97 : memref<512xi32, #tpu.memory_space<vmem>>) semaphore(%dma_start3A_103 : memref<!tpu.dma_semaphore, #tpu.memory_space<semaphore_mem>>)
      %scan3A_104 = arith.constant 0 : i32
      scf.yield %scan3A_104 : i32
    }
    %scan3A_15 = arith.constant 25 : i32
    %dma_start3A = arith.constant 0 : i32
    %dma_start3A_16 = arith.constant 25 : i32
    %dma_start3A_17 = arith.constant 25 : i32
    %dma_start3A_18 = arith.constant 25 : i32
    %dma_start3A_19 = arith.constant 0 : i32
    %dma_start3A_20 = tpu.memref_slice %arg7[%dma_start3A_17, %dma_start3A_19] : memref<26x512xf32, #tpu.memory_space<vmem>> -> memref<1x512xf32, #tpu.memory_space<vmem>>
    %dma_start3A_21 = tpu.memref_squeeze %dma_start3A_20 : memref<1x512xf32, #tpu.memory_space<vmem>> -> memref<512xf32, #tpu.memory_space<vmem>>
    %dma_start3A_22 = arith.constant 0 : i32
    %dma_start3A_23 = tpu.memref_slice %arg6[%dma_start3A_16, %dma_start3A_22] : memref<26x512xi32, #tpu.memory_space<vmem>> -> memref<1x512xi32, #tpu.memory_space<vmem>>
    %dma_start3A_24 = tpu.memref_squeeze %dma_start3A_23 : memref<1x512xi32, #tpu.memory_space<vmem>> -> memref<512xi32, #tpu.memory_space<vmem>>
    %dma_start3A_25 = arith.constant 2500000 : i32
    %dma_start3A_26 = tpu.memref_slice %arg3[%dma_start3A, %dma_start3A_25] : memref<1x2599936xf32, #tpu.memory_space<hbm>> -> memref<1x99936xf32, #tpu.memory_space<hbm>>
    %dma_start3A_27 = tpu.memref_squeeze %dma_start3A_26 : memref<1x99936xf32, #tpu.memory_space<hbm>> -> memref<99936xf32, #tpu.memory_space<hbm>>
    %dma_start3A_28 = arith.constant 0 : i32
    %dma_start3A_29 = tpu.memref_slice %dma_start3A_27[%dma_start3A_28] : memref<99936xf32, #tpu.memory_space<hbm>> -> memref<99936xf32, #tpu.memory_space<hbm>>
    %dma_start3A_30 = tpu.memref_slice %arg11[%dma_start3A_18] : memref<26x!tpu.dma_semaphore, #tpu.memory_space<semaphore_mem>> -> memref<1x!tpu.dma_semaphore, #tpu.memory_space<semaphore_mem>>
    %dma_start3A_31 = tpu.memref_squeeze %dma_start3A_30 : memref<1x!tpu.dma_semaphore, #tpu.memory_space<semaphore_mem>> -> memref<!tpu.dma_semaphore, #tpu.memory_space<semaphore_mem>>
    tpu.enqueue_indirect_dma source(%dma_start3A_29 : memref<99936xf32, #tpu.memory_space<hbm>>) target(%dma_start3A_21 : memref<512xf32, #tpu.memory_space<vmem>>) offsets(%dma_start3A_24 : memref<512xi32, #tpu.memory_space<vmem>>) semaphore(%dma_start3A_31 : memref<!tpu.dma_semaphore, #tpu.memory_space<semaphore_mem>>)
    %dma_wait3A = arith.constant 0 : i32
    %dma_wait3A_32 = arith.constant 0 : i32
    %dma_wait3A_33 = arith.constant 0 : i32
    %dma_wait3A_34 = arith.constant 0 : i32
    %dma_wait3A_35 = arith.constant 0 : i32
    %dma_wait3A_36 = tpu.memref_slice %arg7[%dma_wait3A_33, %dma_wait3A_35] : memref<26x512xf32, #tpu.memory_space<vmem>> -> memref<1x512xf32, #tpu.memory_space<vmem>>
    %dma_wait3A_37 = tpu.memref_squeeze %dma_wait3A_36 : memref<1x512xf32, #tpu.memory_space<vmem>> -> memref<512xf32, #tpu.memory_space<vmem>>
    %dma_wait3A_38 = arith.constant 0 : i32
    %dma_wait3A_39 = tpu.memref_slice %arg6[%dma_wait3A_32, %dma_wait3A_38] : memref<26x512xi32, #tpu.memory_space<vmem>> -> memref<1x512xi32, #tpu.memory_space<vmem>>
    %dma_wait3A_40 = tpu.memref_squeeze %dma_wait3A_39 : memref<1x512xi32, #tpu.memory_space<vmem>> -> memref<512xi32, #tpu.memory_space<vmem>>
    %dma_wait3A_41 = arith.constant 0 : i32
    %dma_wait3A_42 = tpu.memref_slice %arg3[%dma_wait3A, %dma_wait3A_41] : memref<1x2599936xf32, #tpu.memory_space<hbm>> -> memref<1x100000xf32, #tpu.memory_space<hbm>>
    %dma_wait3A_43 = tpu.memref_squeeze %dma_wait3A_42 : memref<1x100000xf32, #tpu.memory_space<hbm>> -> memref<100000xf32, #tpu.memory_space<hbm>>
    %dma_wait3A_44 = arith.constant 0 : i32
    %dma_wait3A_45 = tpu.memref_slice %dma_wait3A_43[%dma_wait3A_44] : memref<100000xf32, #tpu.memory_space<hbm>> -> memref<100000xf32, #tpu.memory_space<hbm>>
    %dma_wait3A_46 = tpu.memref_slice %arg11[%dma_wait3A_34] : memref<26x!tpu.dma_semaphore, #tpu.memory_space<semaphore_mem>> -> memref<1x!tpu.dma_semaphore, #tpu.memory_space<semaphore_mem>>
    %dma_wait3A_47 = tpu.memref_squeeze %dma_wait3A_46 : memref<1x!tpu.dma_semaphore, #tpu.memory_space<semaphore_mem>> -> memref<!tpu.dma_semaphore, #tpu.memory_space<semaphore_mem>>
    tpu.wait_indirect_dma semaphore(%dma_wait3A_47 : memref<!tpu.dma_semaphore, #tpu.memory_space<semaphore_mem>>) src(%dma_wait3A_45 : memref<100000xf32, #tpu.memory_space<hbm>>) dst(%dma_wait3A_37 : memref<512xf32, #tpu.memory_space<vmem>>)
    %get3A = arith.constant 64 : index
    %get3A_48 = tpu.vector_load %arg10[%get3A] {strides = array<i32>} : memref<80xf32, #tpu.memory_space<vmem>>, vector<16xf32>,
    %scan3A_49 = arith.constant 0 : i32
    %scan3A_50 = arith.constant 0 : i32
    %scan3A_51 = arith.constant 32 : i32
    %scan3A_52 = arith.addi %scan3A_50, %scan3A_51 : i32
    %scan3A_53 = arith.constant 1 : i32
    %scan3A_54 = scf.for %scan3A_87 = %scan3A_50 to %scan3A_52 step %scan3A_53 iter_args(%scan3A_88 = %scan3A_49) -> (i32)  : i32 {
      %mul3A_89 = arith.constant 16 : i32
      %mul3A_90 = arith.muli %scan3A_87, %mul3A_89 : i32
      %get3A_91 = arith.constant 0 : i32
      %get3A_92 = arith.index_cast %get3A_91 : i32 to index
      %get3A_93 = arith.index_cast %mul3A_90 : i32 to index
      %get3A_94 = tpu.vector_load %arg7[%get3A_92, %get3A_93] {strides = array<i32>} : memref<26x512xf32, #tpu.memory_space<vmem>>, vector<16xf32>,
      %add3A_95 = arith.addf %get3A_48, %get3A_94 : vector<16xf32>
      %swap3A = arith.index_cast %mul3A_90 : i32 to index
      %swap3A_96 = tpu.vector_load %arg8[%swap3A] {strides = array<i32>} : memref<512xf32, #tpu.memory_space<vmem>>, vector<16xf32>,
      tpu.vector_store %arg8[%swap3A], %add3A_95 {strides = array<i32>} : memref<512xf32, #tpu.memory_space<vmem>>, vector<16xf32>,
      %scan3A_97 = arith.constant 0 : i32
      scf.yield %scan3A_97 : i32
    }
    %scan3A_55 = arith.constant 32 : i32
    %scan3A_56 = arith.constant 0 : i32
    %scan3A_57 = arith.constant 1 : i32
    %scan3A_58 = arith.constant 24 : i32
    %scan3A_59 = arith.addi %scan3A_57, %scan3A_58 : i32
    %scan3A_60 = arith.constant 1 : i32
    %scan3A_61 = scf.for %scan3A_87 = %scan3A_57 to %scan3A_59 step %scan3A_60 iter_args(%scan3A_88 = %scan3A_56) -> (i32)  : i32 {
      %dma_wait3A_89 = arith.constant 0 : i32
      %dma_wait3A_90 = arith.constant 0 : i32
      %dma_wait3A_91 = arith.constant 0 : i32
      %dma_wait3A_92 = tpu.memref_slice %arg7[%scan3A_87, %dma_wait3A_91] : memref<26x512xf32, #tpu.memory_space<vmem>> -> memref<1x512xf32, #tpu.memory_space<vmem>>
      %dma_wait3A_93 = tpu.memref_squeeze %dma_wait3A_92 : memref<1x512xf32, #tpu.memory_space<vmem>> -> memref<512xf32, #tpu.memory_space<vmem>>
      %dma_wait3A_94 = arith.constant 0 : i32
      %dma_wait3A_95 = tpu.memref_slice %arg6[%dma_wait3A_90, %dma_wait3A_94] : memref<26x512xi32, #tpu.memory_space<vmem>> -> memref<1x512xi32, #tpu.memory_space<vmem>>
      %dma_wait3A_96 = tpu.memref_squeeze %dma_wait3A_95 : memref<1x512xi32, #tpu.memory_space<vmem>> -> memref<512xi32, #tpu.memory_space<vmem>>
      %dma_wait3A_97 = arith.constant 0 : i32
      %dma_wait3A_98 = tpu.memref_slice %arg3[%dma_wait3A_89, %dma_wait3A_97] : memref<1x2599936xf32, #tpu.memory_space<hbm>> -> memref<1x100000xf32, #tpu.memory_space<hbm>>
      %dma_wait3A_99 = tpu.memref_squeeze %dma_wait3A_98 : memref<1x100000xf32, #tpu.memory_space<hbm>> -> memref<100000xf32, #tpu.memory_space<hbm>>
      %dma_wait3A_100 = arith.constant 0 : i32
      %dma_wait3A_101 = tpu.memref_slice %dma_wait3A_99[%dma_wait3A_100] : memref<100000xf32, #tpu.memory_space<hbm>> -> memref<100000xf32, #tpu.memory_space<hbm>>
      %dma_wait3A_102 = tpu.memref_slice %arg11[%scan3A_87] : memref<26x!tpu.dma_semaphore, #tpu.memory_space<semaphore_mem>> -> memref<1x!tpu.dma_semaphore, #tpu.memory_space<semaphore_mem>>
      %dma_wait3A_103 = tpu.memref_squeeze %dma_wait3A_102 : memref<1x!tpu.dma_semaphore, #tpu.memory_space<semaphore_mem>> -> memref<!tpu.dma_semaphore, #tpu.memory_space<semaphore_mem>>
      tpu.wait_indirect_dma semaphore(%dma_wait3A_103 : memref<!tpu.dma_semaphore, #tpu.memory_space<semaphore_mem>>) src(%dma_wait3A_101 : memref<100000xf32, #tpu.memory_space<hbm>>) dst(%dma_wait3A_93 : memref<512xf32, #tpu.memory_space<vmem>>)
      %scan3A_104 = arith.constant 0 : i32
      %scan3A_105 = arith.constant 0 : i32
      %scan3A_106 = arith.constant 32 : i32
      %scan3A_107 = arith.addi %scan3A_105, %scan3A_106 : i32
      %scan3A_108 = arith.constant 1 : i32
      %scan3A_109 = scf.for %scan3A_112 = %scan3A_105 to %scan3A_107 step %scan3A_108 iter_args(%scan3A_113 = %scan3A_104) -> (i32)  : i32 {
        %mul3A_114 = arith.constant 16 : i32
        %mul3A_115 = arith.muli %scan3A_112, %mul3A_114 : i32
        %get3A_116 = arith.index_cast %mul3A_115 : i32 to index
        %get3A_117 = tpu.vector_load %arg8[%get3A_116] {strides = array<i32>} : memref<512xf32, #tpu.memory_space<vmem>>, vector<16xf32>,
        %get3A_118 = arith.index_cast %scan3A_87 : i32 to index
        %get3A_119 = arith.index_cast %mul3A_115 : i32 to index
        %get3A_120 = tpu.vector_load %arg7[%get3A_118, %get3A_119] {strides = array<i32>} : memref<26x512xf32, #tpu.memory_space<vmem>>, vector<16xf32>,
        %add3A_121 = arith.addf %get3A_117, %get3A_120 : vector<16xf32>
        %swap3A = arith.index_cast %mul3A_115 : i32 to index
        %swap3A_122 = tpu.vector_load %arg8[%swap3A] {strides = array<i32>} : memref<512xf32, #tpu.memory_space<vmem>>, vector<16xf32>,
        tpu.vector_store %arg8[%swap3A], %add3A_121 {strides = array<i32>} : memref<512xf32, #tpu.memory_space<vmem>>, vector<16xf32>,
        %scan3A_123 = arith.constant 0 : i32
        scf.yield %scan3A_123 : i32
      }
      %scan3A_110 = arith.constant 32 : i32
      %scan3A_111 = arith.constant 0 : i32
      scf.yield %scan3A_111 : i32
    }
    %scan3A_62 = arith.constant 24 : i32
    %dma_wait3A_63 = arith.constant 0 : i32
    %dma_wait3A_64 = arith.constant 0 : i32
    %dma_wait3A_65 = arith.constant 25 : i32
    %dma_wait3A_66 = arith.constant 25 : i32
    %dma_wait3A_67 = arith.constant 0 : i32
    %dma_wait3A_68 = tpu.memref_slice %arg7[%dma_wait3A_65, %dma_wait3A_67] : memref<26x512xf32, #tpu.memory_space<vmem>> -> memref<1x512xf32, #tpu.memory_space<vmem>>
    %dma_wait3A_69 = tpu.memref_squeeze %dma_wait3A_68 : memref<1x512xf32, #tpu.memory_space<vmem>> -> memref<512xf32, #tpu.memory_space<vmem>>
    %dma_wait3A_70 = arith.constant 0 : i32
    %dma_wait3A_71 = tpu.memref_slice %arg6[%dma_wait3A_64, %dma_wait3A_70] : memref<26x512xi32, #tpu.memory_space<vmem>> -> memref<1x512xi32, #tpu.memory_space<vmem>>
    %dma_wait3A_72 = tpu.memref_squeeze %dma_wait3A_71 : memref<1x512xi32, #tpu.memory_space<vmem>> -> memref<512xi32, #tpu.memory_space<vmem>>
    %dma_wait3A_73 = arith.constant 0 : i32
    %dma_wait3A_74 = tpu.memref_slice %arg3[%dma_wait3A_63, %dma_wait3A_73] : memref<1x2599936xf32, #tpu.memory_space<hbm>> -> memref<1x100000xf32, #tpu.memory_space<hbm>>
    %dma_wait3A_75 = tpu.memref_squeeze %dma_wait3A_74 : memref<1x100000xf32, #tpu.memory_space<hbm>> -> memref<100000xf32, #tpu.memory_space<hbm>>
    %dma_wait3A_76 = arith.constant 0 : i32
    %dma_wait3A_77 = tpu.memref_slice %dma_wait3A_75[%dma_wait3A_76] : memref<100000xf32, #tpu.memory_space<hbm>> -> memref<100000xf32, #tpu.memory_space<hbm>>
    %dma_wait3A_78 = tpu.memref_slice %arg11[%dma_wait3A_66] : memref<26x!tpu.dma_semaphore, #tpu.memory_space<semaphore_mem>> -> memref<1x!tpu.dma_semaphore, #tpu.memory_space<semaphore_mem>>
    %dma_wait3A_79 = tpu.memref_squeeze %dma_wait3A_78 : memref<1x!tpu.dma_semaphore, #tpu.memory_space<semaphore_mem>> -> memref<!tpu.dma_semaphore, #tpu.memory_space<semaphore_mem>>
    tpu.wait_indirect_dma semaphore(%dma_wait3A_79 : memref<!tpu.dma_semaphore, #tpu.memory_space<semaphore_mem>>) src(%dma_wait3A_77 : memref<100000xf32, #tpu.memory_space<hbm>>) dst(%dma_wait3A_69 : memref<512xf32, #tpu.memory_space<vmem>>)
    %scan3A_80 = arith.constant 0 : i32
    %scan3A_81 = arith.constant 0 : i32
    %scan3A_82 = arith.constant 32 : i32
    %scan3A_83 = arith.addi %scan3A_81, %scan3A_82 : i32
    %scan3A_84 = arith.constant 1 : i32
    %scan3A_85 = scf.for %scan3A_87 = %scan3A_81 to %scan3A_83 step %scan3A_84 iter_args(%scan3A_88 = %scan3A_80) -> (i32)  : i32 {
      %mul3A_89 = arith.constant 16 : i32
      %mul3A_90 = arith.muli %scan3A_87, %mul3A_89 : i32
      %get3A_91 = arith.index_cast %mul3A_90 : i32 to index
      %get3A_92 = tpu.vector_load %arg9[%get3A_91] {strides = array<i32>} : memref<512xi32, #tpu.memory_space<vmem>>, vector<16xi32>,
      %ge3A = arith.constant 99936 : i32
      %ge3A_93 = vector.broadcast %ge3A : i32 to vector<16xi32>
      %ge3A_94 = arith.cmpi sge, %get3A_92, %ge3A_93 : vector<16xi32>
      %sub3A = arith.constant 99936 : i32
      %sub3A_95 = vector.broadcast %sub3A : i32 to vector<16xi32>
      %sub3A_96 = arith.subi %get3A_92, %sub3A_95 : vector<16xi32>
      %max3A = arith.constant 0 : i32
      %max3A_97 = vector.broadcast %max3A : i32 to vector<16xi32>
      %max3A_98 = arith.maxsi %sub3A_96, %max3A_97 : vector<16xi32>
      %min3A = arith.constant 63 : i32
      %min3A_99 = vector.broadcast %min3A : i32 to vector<16xi32>
      %min3A_100 = arith.minsi %max3A_98, %min3A_99 : vector<16xi32>
      %gather3A = tpu.vector_load_idx %arg10[%min3A_100] : memref<80xf32, #tpu.memory_space<vmem>>[vector<16xi32>], vector<16xf32>,
      %get3A_101 = arith.constant 25 : i32
      %get3A_102 = arith.index_cast %get3A_101 : i32 to index
      %get3A_103 = arith.index_cast %mul3A_90 : i32 to index
      %get3A_104 = tpu.vector_load %arg7[%get3A_102, %get3A_103] {strides = array<i32>} : memref<26x512xf32, #tpu.memory_space<vmem>>, vector<16xf32>,
      %select_n3A = arith.select %ge3A_94, %gather3A, %get3A_104 : vector<16xi1>, vector<16xf32>
      %get3A_105 = arith.index_cast %mul3A_90 : i32 to index
      %get3A_106 = tpu.vector_load %arg8[%get3A_105] {strides = array<i32>} : memref<512xf32, #tpu.memory_space<vmem>>, vector<16xf32>,
      %add3A_107 = arith.addf %get3A_106, %select_n3A : vector<16xf32>
      %swap3A = arith.index_cast %mul3A_90 : i32 to index
      %swap3A_108 = tpu.vector_load %arg8[%swap3A] {strides = array<i32>} : memref<512xf32, #tpu.memory_space<vmem>>, vector<16xf32>,
      tpu.vector_store %arg8[%swap3A], %add3A_107 {strides = array<i32>} : memref<512xf32, #tpu.memory_space<vmem>>, vector<16xf32>,
      %scan3A_109 = arith.constant 0 : i32
      scf.yield %scan3A_109 : i32
    }
    %scan3A_86 = arith.constant 32 : i32
    "tpu.region"() ({
      %run_scoped3A = tpu.sem_alloc : memref<!tpu.dma_semaphore, #tpu.memory_space<semaphore_mem>>
      %dma_start3A_87 = tpu.memref_slice %arg5[%mul3A_2] : memref<16384xf32, #tpu.memory_space<hbm>> -> memref<512xf32, #tpu.memory_space<hbm>>
      %dma_start3A_88 = tpu.memref_slice %arg5[%mul3A_2] : memref<16384xf32, #tpu.memory_space<hbm>> -> memref<512xf32, #tpu.memory_space<hbm>>
      tpu.enqueue_dma source(%arg8 : memref<512xf32, #tpu.memory_space<vmem>>) target(%dma_start3A_88 : memref<512xf32, #tpu.memory_space<hbm>>) target_semaphore(%run_scoped3A : memref<!tpu.dma_semaphore, #tpu.memory_space<semaphore_mem>>)
      %dma_wait3A_89 = tpu.memref_slice %arg5[%mul3A_2] : memref<16384xf32, #tpu.memory_space<hbm>> -> memref<512xf32, #tpu.memory_space<hbm>>
      %dma_wait3A_90 = tpu.memref_slice %arg5[%mul3A_2] : memref<16384xf32, #tpu.memory_space<hbm>> -> memref<512xf32, #tpu.memory_space<hbm>>
      tpu.wait_dma2 semaphore(%run_scoped3A : memref<!tpu.dma_semaphore, #tpu.memory_space<semaphore_mem>>) src(%arg8 : memref<512xf32, #tpu.memory_space<vmem>>) dst(%dma_wait3A_90 : memref<512xf32, #tpu.memory_space<hbm>>)
      tpu.yield
    }) : () -> ()
    return
  }
}

</mosaic_0001>

<sc_bundles>
// kernel: _cat_linear.3.cloned.1.call-start
scs
__scs_entry_jumppad:
0x0: {  	(pc) =	sbr.rel $0x88, $3  }
0x1: {  	(tag) =	ssettag $0x0;
	lr =	simm.s32 $0x1  }
0x2: {  	[smem:$0x3F9E] =	sst lr;
	_ =	strace $0xD0000000  }
0x3: {  	_ = 	snop  }
0x4: {  	_ = 	snop  }
0x5: {  	_ = 	snop  }
0x6: {  	_ = 	snop  }
0x7: {  	_ = 	snop  }
__scs_overlays_trampoline_lowered:
0x8: {  	[smem:$0x3FAD] =	sst s0  }
0x9: {  	[smem:$0x3FAE] =	sst s1  }
0xa: {  	[smem:$0x3FAF] =	sst s2  }
0xb: {  	[smem:$0x3FB0] =	sst s3  }
0xc: {  	[smem:$0x3FB1] =	sst s4  }
0xd: {  	[smem:$0x3FB2] =	sst s5  }
0xe: {  	[smem:$0x3FB3] =	sst s6  }
0xf: {  	[smem:$0x3FB4] =	sst s7  }
0x10: {  	[smem:$0x3FB5] =	sst s8  }
0x11: {  	[smem:$0x3FB6] =	sst s9;
	s0 =	simm.s32 @!p0 $0x0  }
0x12: {  	s1 =	sld [smem:$0x3F9C];
	s0 =	simm.s32 @p0 $0x1  }
0x13: {  	[smem:$0x3FB7] =	sst s0;
	s0 =	simm.s32 @!p1 $0x0  }
0x14: {  	s2 =	sld [smem:$0x3F9B];
	s0 =	simm.s32 @p1 $0x1  }
0x15: {  	[smem:$0x3FB8] =	sst s0;
	s0 =	simm.s32 @!p2 $0x0  }
0x16: {  	s3 =	sld [smem:$0x3FDB];
	s0 =	simm.s32 @p2 $0x1  }
0x17: {  	s4 =	simm.s32 $0x1BF5;
	[smem:$0x3FBA] =	sst s0  }
0x18: {  	s0 =	sld [smem:$0x3F9D];
	_ =	swait.ge [sflag:s4], $0x0  }
0x19: {  	s7 =	sld [smem:$0x3F9E]  }
0x1a: {  	s8 =	sadd.s32 $0xFFFFE003, lr  }
0x1b: {  	s9 =	sadd.s32 $0xFFFFFEF7, lr;
	s5 =	simm.s32 $0xFFFFFFFF;
	p2 =	slt.u32 s8, $0xFFFFF086  }
0x1c: {  	p1 =	slt.u32 s9, $0xF7A;
	s5 =	simm.s32 @!p2 $0x0  }
0x1d: {  	s5 =	simm.s32 @p1 $0x1;
	p0 =	seq.s32 s7, s2  }
0x1e: {  	s7 =	smul.u32 @!p0 $0xF7A, s2;
	p2 =	seq.s32 @!p0 s5, $0x0  }
0x1f: {  	s9 =	smul.u32 $0xF7A, s1;
	s8 =	simm.s32 @!p0 $0x1BF5;
	p2 =	por !p2, p0  }
0x20: {  	[sflag:s8] =	ssyncset.s32 @!p0 $0xFFFFF086;
	s6 =	sadd.s32 @!p0 s3, s7;
	s7 =	simm.s32 @!p0 $0x108  }
0x21: {  	s3 =	sadd.s32 s3, s9;
	s6 =	sadd.s32 @!p0 $0x88, s6;
	s7 =	simm.s32 @p2 $0x1082  }
0x22: {  	[simem:s7], [sflag:s8] =	dma.local @!p0 [hbm:s6], $0xF7A  }
0x23: {  	s9 =	sor.u32 $0xD0000000, s2;
	s6 =	simm.s32 $0x108;
	_ =	swait.ge @!p0 [sflag:s8], $0x0  }
0x24: {  	s3 =	sadd.s32 $0x88, s3;
	s6 =	simm.s32 @!p1 $0x1082;
	[sflag:s4] =	ssyncset.s32 $0xFFFFF086  }
0x25: {  	[simem:s6], [sflag:s4] =	dma.local [hbm:s3], $0xF7A  }
0x26: {  	[smem:$0x3F9E] =	sst s1;
	(tag) =	ssettag s2;
	_ =	strace s9  }
0x27: {  	s1 =	sld [smem:$0x3FAE]  }
0x28: {  	s2 =	sld [smem:$0x3FAF]  }
0x29: {  	s4 =	sld [smem:$0x3FB1]  }
0x2a: {  	p0 =	seq.s32 s5, $0x0;
	s5 =	sld [smem:$0x3FB2]  }
0x2b: {  	s6 =	sld [smem:$0x3FB3]  }
0x2c: {  	s7 =	sld [smem:$0x3FB4]  }
0x2d: {  	s3 =	simm.s32 $0x108;
	s8 =	sld [smem:$0x3FB5]  }
0x2e: {  	s3 =	simm.s32 @!p0 $0x1082;
	s9 =	sld [smem:$0x3FB6]  }
0x2f: {  	lr =	sadd.s32 s0, s3;
	s0 =	sld [smem:$0x3FAD]  }
0x30: {  	s3 =	sld [smem:$0x3FB0]  }
0x31: {  	[smem:$0x3FB9] =	sst s10  }
0x32: {  	s10 =	sld [smem:$0x3FB7];
	_ =	sdelay $0x3  }
0x33: {  	p0 =	seq.s32 s10, $0x1;
	s10 =	sld [smem:$0x3FB9];
	_ =	sdelay $0x3  }
0x34: {  	[smem:$0x3FB9] =	sst s10  }
0x35: {  	s10 =	sld [smem:$0x3FB8];
	_ =	sdelay $0x3  }
0x36: {  	p1 =	seq.s32 s10, $0x1;
	s10 =	sld [smem:$0x3FB9];
	_ =	sdelay $0x3  }
0x37: {  	[smem:$0x3FB9] =	sst s10  }
0x38: {  	s10 =	sld [smem:$0x3FBA]  }
0x39: {  	_ = 	snop;
	(pc) =	sbr.ind lr, $3  }
0x3a: {  	_ = 	snop  }
0x3b: {  	_ = 	snop  }
0x3c: {  	p2 =	seq.s32 s10, $0x1;
	s10 =	sld [smem:$0x3FB9]  }
0x3d: {  	_ =	shalt  }
0x3e: {  	_ =	shalt  }
0x3f: {  	_ =	shalt  }
0x40: {  	_ =	shalt  }
0x41: {  	_ =	shalt  }
0x42: {  	_ =	shalt  }
0x43: {  	_ =	shalt  }
0x44: {  	_ =	shalt  }
0x45: {  	_ =	shalt  }
0x46: {  	_ =	shalt  }
0x47: {  	_ =	shalt  }
0x48: {  	_ =	shalt  }
0x49: {  	_ =	shalt  }
0x4a: {  	_ =	shalt  }
0x4b: {  	_ =	shalt  }
0x4c: {  	_ =	shalt  }
0x4d: {  	_ =	shalt  }
0x4e: {  	_ =	shalt  }
0x4f: {  	_ =	shalt  }
0x50: {  	_ =	shalt  }
0x51: {  	_ =	shalt  }
0x52: {  	_ =	shalt  }
0x53: {  	_ =	shalt  }
0x54: {  	_ =	shalt  }
0x55: {  	_ =	shalt  }
0x56: {  	_ =	shalt  }
0x57: {  	_ =	shalt  }
0x58: {  	_ =	shalt  }
0x59: {  	_ =	shalt  }
0x5a: {  	_ =	shalt  }
0x5b: {  	_ =	shalt  }
0x5c: {  	_ =	shalt  }
0x5d: {  	_ =	shalt  }
0x5e: {  	_ =	shalt  }
0x5f: {  	_ =	shalt  }
0x60: {  	_ =	shalt  }
0x61: {  	_ =	shalt  }
0x62: {  	_ =	shalt  }
0x63: {  	_ =	shalt  }
0x64: {  	_ =	shalt  }
0x65: {  	_ =	shalt  }
0x66: {  	_ =	shalt  }
0x67: {  	_ =	shalt  }
0x68: {  	_ =	shalt  }
0x69: {  	_ =	shalt  }
0x6a: {  	_ =	shalt  }
0x6b: {  	_ =	shalt  }
0x6c: {  	_ =	shalt  }
0x6d: {  	_ =	shalt  }
0x6e: {  	_ =	shalt  }
0x6f: {  	_ =	shalt  }
0x70: {  	_ =	shalt  }
0x71: {  	_ =	shalt  }
0x72: {  	_ =	shalt  }
0x73: {  	_ =	shalt  }
0x74: {  	_ =	shalt  }
0x75: {  	_ =	shalt  }
0x76: {  	_ =	shalt  }
0x77: {  	_ =	shalt  }
0x78: {  	_ =	shalt  }
0x79: {  	_ =	shalt  }
0x7a: {  	_ =	shalt  }
0x7b: {  	_ =	shalt  }
0x7c: {  	_ =	shalt  }
0x7d: {  	_ =	shalt  }
0x7e: {  	_ =	shalt  }
0x7f: {  	_ =	shalt  }
0x80: {  	_ =	shalt  }
0x81: {  	_ =	shalt  }
0x82: {  	_ =	shalt  }
0x83: {  	_ =	shalt  }
0x84: {  	_ =	shalt  }
0x85: {  	_ =	shalt  }
0x86: {  	_ =	shalt  }
0x87: {  	_ =	shalt  }
.Lfunc_end0:
.L_simem_size_0:
called_computation_lowered:
.L_overlay_start_0:
0x88: {  	s2 =	sld [smem:$0x3FD9]  }
0x89: {  	s3 =	sld [smem:$0x3FFE];
	_ =	sdelay $0x1  }
0x8a: {  	s1 =	srdreg.scid  }
0x8b: {  	s0 =	sand.u32 $0x1, s1  }
0x8c: {  	s17 =	sshll.u32 s0, $0xA;
	s2 =	sadd.s32 s3, s2  }
0x8d: {  	s2 =	sadd.s32 s2, s17  }
0x8e: {  	[smem:$0x3FC5] =	sst s2  }
0x8f: {  	_ = 	snop  }
0x90: {  	s2 =	sld [smem:$0x3FC8]  }
0x91: {  	s18 =	sld [smem:$0x3FC7]  }
0x92: {  	s4 =	sld [smem:$0x3FD0];
	(tm) =	ssettm $0x1  }
0x93: {  	s5 =	sld [smem:$0x3FFB];
	_ =	sdelay $0x3  }
0x94: {  	_ =	strace s5  }
0x95: {  	s5 =	sld [smem:$0x3FFC];
	_ =	sdelay $0x3  }
0x96: {  	_ =	strace s5  }
0x97: {  	s5 =	sld [smem:$0x3FFD];
	_ =	sdelay $0x3  }
0x98: {  	_ =	strace s5  }
0x99: {  	_ =	strace $0x8FFFFFFF  }
0x9a: {  	s19 =	sld [smem:$0x3FDB];
	_ =	sdelay $0x1  }
0x9b: {  	s6 =	simm.s32 $_scs_section_size  }
0x9c: {  	s7 =	simm.s32 $_size__tile_overlayer_lowered;
	s8 =	simm.s32 $_tile_overlayer_lowered  }
0x9d: {  	s22 =	simm.s32 $0x1BFF;
	s21 =	sshll.u32 s8, $0x1;
	s5 =	sadd.s32 s6, s19  }
0x9e: {  	s9 =	simm.s32 $0x0;
	s20 =	sshll.u32 s7, $0x1;
	s7 =	sadd.s32 s21, s5  }
0x9f: {  	[timem:s9], [sflag:s22] =	dma.local [hbm:s7], s20  }
0xa0: {  	_ =	swait.ge [sflag:s22], s20  }
0xa1: {  	s6 =	ssub.s32 $0x0, s20;
	[sflag:s22] =	ssyncset.done $0x0  }
0xa2: {  	[sflag:s22] =	ssyncadd.s32 s6;
	_ =	sdelay $0x1  }
0xa3: {  	s23 =	simm.s32 $0x1B8B  }
0xa4: {  	_ =	swait.ge [sflag:s23], $0x1  }
0xa5: {  	[sflag:s23] =	ssyncset.done $0x0  }
0xa6: {  	s25 =	simm.s32 $0x1B8E;
	s24 =	sld [smem:$0x3FFE];
	[sflag:s23] =	ssyncadd.s32 $0xFFFFFFFF  }
0xa7: {  	s26 =	simm.s32 $execute0_lowered;
	[smem:$0x3FD2] =	sst s25  }
0xa8: {  	s7 =	sshll.u32 s26, $0x1;
	_ =	strace $0x80000046;
	[dreg:$0x1] =	wrdreg $0xFFFFFFFF  }
0xa9: {  	s28 =	simm.s32 $_size_execute0_lowered;
	s5 =	sadd.s32 s5, s7;
	[dreg:$0x0] =	wrdreg $0x0  }
0xaa: {  	s7 =	sshll.u32 s28, $0x1;
	[dreg:$0x2] =	wrdreg s5  }
0xab: {  	[dreg:$0x3] =	wrdreg s7  }
0xac: {  	[dreg:$0x4] =	wrdreg $0xC0  }
0xad: {  	_ =	task [dreg:s9], $0x5FFFF  }
0xae: {  	[dreg:$0x1] =	wrdreg $0xFFFFFFFF  }
0xaf: {  	[dreg:$0x0] =	wrdreg $0x60  }
0xb0: {  	[dreg:$0x2] =	wrdreg s24  }
0xb1: {  	[dreg:$0x3] =	wrdreg s2  }
0xb2: {  	[dreg:$0x4] =	wrdreg s18  }
0xb3: {  	[dreg:$0x5] =	wrdreg s4  }
0xb4: {  	[dreg:$0x6] =	wrdreg $0x9  }
0xb5: {  	_ =	task.clear_ibuf [dreg:s9], $0x7FFFF;
	_ =	strace $0x90000046  }
0xb6: {  	s29 =	simm.s32 $0x9;
	_ =	strace $0x80000048  }
0xb7: {  	_ =	swait.ge [sflag:s29], $0x1  }
0xb8: {  	[sflag:s29] =	ssyncadd.s32 $0xFFFFFFFF  }
0xb9: {  	_ =	strace $0x90000048  }
0xba: {  	_ =	sfence  }
0xbb: {  	s30 =	sld [smem:$0x0];
	_ =	sdelay $0x2  }
0xbc: {  	s31 =	sshll.u32 s1, $0xD;
	s1 =	sshrl.u32 s1, $0x2  }
0xbd: {  	s3 =	sand.u32 $0x4000, s31;
	s1 =	sadd.s32 s1, s30  }
0xbe: {  	s0 =	sor.u32 s3, s0;
	s1 =	sshll.u32 s1, $0x11  }
0xbf: {  	s0 =	sor.u32 s1, s0  }
0xc0: {  	s0 =	sadd.s32 $0x8F2B, s0  }
0xc1: {  	[sflag:s0] =	ssyncadd.remote.s32 $0x1  }
0xc2: {  	_ =	sfence.sel $0xFFFF  }
0xc3: {  	[dreg:$0x0] =	wrdreg $0xFFFFFFFF;
	(pc) =	sbr.abs _section_cstart, $3  }
0xc4: {  	[dreg:$0x1] =	wrdreg $0xFFFFFFFF  }
0xc5: {  	_ =	task.clear_ibuf [dreg:s9], $0x2FFFF;
	_ =	strace $0x9FFFFFFF  }
0xc6: {  	(tm) =	ssettm $0x7FFFFFFF  }
0xc7: {  	_ =	shalt  }
tec
execute0_lowered:
.L_overlay_start_1:
0x0: {  	(tag) =	ssettag $0x1  }
0x1: {  	s5 =	rddreg [dreg:$0x0]  }
0x2: {  	s1 =	rddreg [dreg:$0x1]  }
0x3: {  	s3 =	rddreg [dreg:$0x2]  }
0x4: {  	s7 =	rddreg [dreg:$0x3];
	s4 =	srdreg.scid  }
0x5: {  	s0 =	rddreg [dreg:$0x4];
	s2 =	stileid.u32;
	s10 =	simm.s32 $0x4000  }
0x6: {  	s11 =	simm.s32 $0x1B;
	s12 =	simm.s32 $0x6C00;
	s13 =	simm.s32 $0x3200  }
0x7: {  	s14 =	simm.s32 $0x6600;
	s15 =	simm.s32 $0x1;
	s16 =	simm.s32 $0x1A  }
0x8: {  	s17 =	simm.s32 $0x6800;
	s18 =	simm.s32 $0x0;
	s6 =	sand.u32 $0x1, s4  }
0x9: {  	s4 =	simm.s32 $0x0;
	s8 =	sshll.u32 s2, $0x7;
	s9 =	sshll.u32 s6, $0x6  }
0xa: {  	[smem:$0x7FF] =	sst s4;
	s6 =	ssub.s32 $0x2, s6;
	s8 =	sor.u32 s9, s8  }
0xb: {  	_ =	strace $0x80000047;
	s31 =	sshrl.u32 s6, $0x1;
	s5 =	sadd.s32 s8, s5  }
0xc: {  	s9 =	ssub.s32 s6, s31;
	s6 =	sadd.s32 $0x4C4B4, s1;
	s7 =	sadd.s32 s7, s8  }
0xd: {  	s5 =	sadd.s32 $0x400, s5;
	s8 =	smax.u32 s9, $0x1;
	s9 =	simm.s32 $0x200  }
.LBB2_1:
0xe: {  	[tilespmem:s4], [sflag:$0x1B] =	stream.strided.gather [hbm4b:s5+s9], $0x3400, s10, s9, $0x38;
	[tilespmem:$0x6C50] =	vst v63  }
0xf: {  	_ =	swait.ge [sflag:s11], $0x3400  }
0x10: {  	[sflag:s11] =	ssyncset.done $0x0  }
0x11: {  	[sflag:s11] =	ssyncadd.s32 $0xFFFFCC00  }
0x12: {  	[tilespmem:s12], [sflag:$0x1B] =	stream.linear.gather [hbm4b:s3+s4], $0x50, $0x38;
	[tilespmem:$0x6C50] =	vst v63  }
0x13: {  	_ =	swait.ge [sflag:s11], $0x50  }
0x14: {  	[sflag:s11] =	ssyncset.done $0x0  }
0x15: {  	s19 =	simm.s32 $0x0;
	s20 =	simm.s32 $0x40;
	[sflag:s11] =	ssyncadd.s32 $0xFFFFFFB0  }
.LBB2_2:
0x16: {  	p0 =	sne.s32 s20, $0x7C0;
	v0 =	vld [tilespmem:s19+$0x3200];
	_ =	sdelay $0x2  }
.Ltmp0:
0x17: {  	(pc) =	sbr.rel @p0 .LBB2_2-.Ltmp0, $4  }
0x18: {  	_ = 	snop  }
0x19: {  	[tilespmem:s19+$0x6A00] =	vst v0;
	vm0 =	vlt.s32 v0, $0x1865F  }
0x1a: {  	v0 =	vnsel vm0, $0x1865F, v0  }
0x1b: {  	[tilespmem:s19+$0x3200] =	vst v0;
	s19 =	sshra.s32 s20, $0x2;
	s20 =	sadd.s32 $0x40, s20  }
0x1c: {  	v0 =	vld [tilespmem:s19+$0x3200];
	_ =	sdelay $0x4  }
0x1d: {  	vm0 =	vlt.s32 v0, $0x1865F  }
0x1e: {  	[tilespmem:s19+$0x6A00] =	vst v0;
	v0 =	vnsel vm0, $0x1865F, v0  }
0x1f: {  	s20 =	simm.s32 $0x0;
	s21 =	simm.s32 $0x3400;
	[tilespmem:s19+$0x3200] =	vst v0;
	s19 =	simm.s32 $0x1  }
0x20: {  	[tilespmem:s21], [sflag:s19] =	stream.indirect.gather [hbm4b:s1+s9], $0x1, s20, s9, $0xb8;
	[tilespmem:$0x6C50] =	vst v63  }
0x21: {  	s20 =	simm.s32 $0x800;
	s21 =	smov.u32 s1  }
.LBB2_4:
0x22: {  	p0 =	sne.s32 s20, $0xC000  }
.Ltmp1:
0x23: {  	_ = 	snop;
	(pc) =	sbr.rel @p0 .LBB2_4-.Ltmp1, $4  }
0x24: {  	_ = 	snop  }
0x25: {  	s22 =	sshra.s32 s20, $0x2;
	s20 =	sadd.s32 $0x800, s20  }
0x26: {  	s19 =	sadd.s32 $0x1, s19;
	s21 =	sadd.s32 $0x30D4, s21;
	s23 =	sadd.s32 $0x3400, s22  }
0x27: {  	[tilespmem:s23], [sflag:s19] =	stream.indirect.gather [hbm4b:s21+s9], $0x1, s22, s9, $0xb8;
	[tilespmem:$0x6C50] =	vst v63  }
0x28: {  	[tilespmem:s14], [sflag:$0x1A] =	stream.indirect.gather [hbm4b:s6+s9], $0x1, s13, s9, $0xb8;
	[tilespmem:$0x6C50] =	vst v63  }
0x29: {  	_ =	swait.ge [sflag:s15], $0x200  }
0x2a: {  	[sflag:s15] =	ssyncset.done $0x0  }
0x2b: {  	[sflag:s15] =	ssyncadd.s32 $0xFFFFFE00  }
0x2c: {  	s19 =	simm.s32 $0x0;
	v0 =	vld [tilespmem:$0x6C40]  }
0x2d: {  	v1 =	vld [tilespmem:s19+$0x3400]  }
0x2e: {  	s20 =	simm.s32 $0x40  }
.LBB2_6:
0x2f: {  	p0 =	sne.s32 s20, $0x7C0  }
.Ltmp2:
0x30: {  	_ = 	snop;
	(pc) =	sbr.rel @p0 .LBB2_6-.Ltmp2, $4  }
0x31: {  	_ = 	snop  }
0x32: {  	s21 =	sshra.s32 s20, $0x2;
	s20 =	sadd.s32 $0x40, s20;
	v2 =	vadd.f32 v1, v0  }
0x33: {  	v1 =	vld [tilespmem:s21+$0x3400]  }
0x34: {  	[tilespmem:s19+$0x6800] =	vst v2;
	s19 =	smov.u32 s21  }
0x35: {  	_ =	sdelay $0x2  }
0x36: {  	v0 =	vadd.f32 v1, v0;
	_ =	sdelay $0x1  }
0x37: {  	s20 =	simm.s32 $0x3600;
	[tilespmem:s19+$0x6800] =	vst v0;
	s19 =	simm.s32 $0x1  }
.LBB2_8:
0x38: {  	v0 =	vmov s20  }
0x39: {  	s19 =	sadd.s32 $0x1, s19  }
0x3a: {  	_ =	swait.ge [sflag:s19], $0x200  }
0x3b: {  	[sflag:s19] =	ssyncset.done $0x0  }
0x3c: {  	s21 =	simm.s32 $0x0;
	s22 =	simm.s32 $0x40;
	[sflag:s19] =	ssyncadd.s32 $0xFFFFFE00  }
.LBB2_9:
0x3d: {  	p0 =	sne.s32 s22, $0x7C0;
	v1 =	vld.idx.msk [tilespmem:v0+s21+$0x0 ss:$0x1], $0xffff  }
0x3e: {  	v2 =	vld [tilespmem:s21+$0x6800];
	_ =	sdelay $0x2  }
.Ltmp3:
0x3f: {  	(pc) =	sbr.rel @p0 .LBB2_9-.Ltmp3, $3  }
0x40: {  	_ = 	snop  }
0x41: {  	v1 =	vadd.f32 v1, v2;
	_ =	sdelay $0x1  }
0x42: {  	[tilespmem:s21+$0x6800] =	vst v1;
	s21 =	sshra.s32 s22, $0x2;
	s22 =	sadd.s32 $0x40, s22  }
0x43: {  	_ =	sdelay $0x3  }
0x44: {  	v0 =	vld.idx.msk [tilespmem:v0+s21+$0x0 ss:$0x1], $0xffff  }
0x45: {  	v1 =	vld [tilespmem:s21+$0x6800];
	_ =	sdelay $0x1  }
0x46: {  	p0 =	sne.s32 s19, $0x19  }
.Ltmp4:
0x47: {  	_ = 	snop;
	(pc) =	sbr.rel @p0 .LBB2_8-.Ltmp4, $3  }
0x48: {  	_ = 	snop  }
0x49: {  	v0 =	vadd.f32 v0, v1;
	_ =	sdelay $0x1  }
0x4a: {  	s20 =	sadd.s32 $0x200, s20;
	[tilespmem:s21+$0x6800] =	vst v0  }
0x4b: {  	_ =	swait.ge [sflag:s16], $0x200  }
0x4c: {  	[sflag:s16] =	ssyncset.done $0x0  }
0x4d: {  	s20 =	simm.s32 $0x0;
	[sflag:s16] =	ssyncadd.s32 $0xFFFFFE00  }
0x4e: {  	v1 =	vld [tilespmem:s20+$0x6A00];
	_ =	sdelay $0x4  }
0x4f: {  	v0 =	vadd.s32 $0xFFFE79A0, v1  }
0x50: {  	vm0 =	vgt.s32 v0, $0x0  }
0x51: {  	s19 =	simm.s32 $0x10;
	v0 =	vnsel vm0, $0x0, v0  }
0x52: {  	v2 =	vmin.u32 v0, $0x3F;
	v0 =	vld [tilespmem:s19+$0x6A00];
	_ =	sdelay $0x4  }
0x53: {  	v3 =	vld.idx.msk [tilespmem:v2+s12+$0x0], $0xffff;
	v2 =	vadd.s32 $0xFFFE79A0, v0  }
0x54: {  	v4 =	vld [tilespmem:s20+$0x6600];
	vm14 =	vgt.s32 v2, $0x0  }
0x55: {  	v5 =	vnsel vm14, $0x0, v2;
	v2 =	vld [tilespmem:s20+$0x6800];
	_ =	sdelay $0x2  }
0x56: {  	vm15 =	vgt.s32 v1, $0x1865F;
	v1 =	vmin.u32 v5, $0x3F  }
0x57: {  	s21 =	simm.s32 $0x20;
	s22 =	simm.s32 $0xC0;
	v3 =	vsel vm15, v3, v4  }
.LBB2_12:
0x58: {  	p0 =	sne.s32 s22, $0x7C0;
	v4 =	vld [tilespmem:s21+$0x6A00];
	v2 =	vadd.f32 v3, v2;
	_ =	sdelay $0x1  }
0x59: {  	[tilespmem:s20+$0x6800] =	vst v2;
	s20 =	smov.u32 s19;
	s19 =	smov.u32 s21  }
0x5a: {  	v3 =	vld.idx.msk [tilespmem:v1+s12+$0x0], $0xffff  }
0x5b: {  	v5 =	vld [tilespmem:s20+$0x6600]  }
.Ltmp5:
0x5c: {  	v1 =	vadd.s32 $0xFFFE79A0, v4;
	v2 =	vld [tilespmem:s20+$0x6800];
	(pc) =	sbr.rel @p0 .LBB2_12-.Ltmp5, $4  }
0x5d: {  	vm0 =	vgt.s32 v1, $0x0  }
0x5e: {  	v1 =	vnsel vm0, $0x0, v1  }
0x5f: {  	vm0 =	vgt.s32 v0, $0x1865F;
	v0 =	vmov v4;
	v1 =	vmin.u32 v1, $0x3F  }
0x60: {  	s21 =	sshra.s32 s22, $0x2;
	s22 =	sadd.s32 $0x40, s22;
	v3 =	vsel vm0, v3, v5  }
0x61: {  	_ = 	snop  }
0x62: {  	v2 =	vadd.f32 v3, v2  }
0x63: {  	v4 =	vld [tilespmem:s21+$0x6A00]  }
0x64: {  	[tilespmem:s20+$0x6800] =	vst v2  }
0x65: {  	v1 =	vld.idx.msk [tilespmem:v1+s12+$0x0], $0xffff  }
0x66: {  	v2 =	vld [tilespmem:s19+$0x6600]  }
0x67: {  	v5 =	vld [tilespmem:s19+$0x6800]  }
0x68: {  	v61 =	vadd.s32 $0xFFFE79A0, v4  }
0x69: {  	vm0 =	vgt.s32 v61, $0x0  }
0x6a: {  	vm14 =	vgt.s32 v0, $0x1865F;
	v3 =	vnsel vm0, $0x0, v61  }
0x6b: {  	v3 =	vmin.u32 v3, $0x3F;
	v0 =	vsel vm14, v1, v2  }
0x6c: {  	v0 =	vadd.f32 v0, v5;
	_ =	sdelay $0x1  }
0x6d: {  	[tilespmem:s19+$0x6800] =	vst v0  }
0x6e: {  	v62 =	vld [tilespmem:s21+$0x6600]  }
0x6f: {  	v0 =	vld.idx.msk [tilespmem:v3+s12+$0x0], $0xffff  }
0x70: {  	v63 =	vld [tilespmem:s21+$0x6800];
	_ =	sdelay $0x2  }
0x71: {  	vm15 =	vgt.s32 v4, $0x1865F  }
0x72: {  	v0 =	vsel vm15, v0, v62  }
0x73: {  	s18 =	sadd.s32 $0x1, s18;
	v0 =	vadd.f32 v0, v63  }
0x74: {  	p0 =	sne.s32 s18, s8  }
.Ltmp6:
0x75: {  	[tilespmem:s21+$0x6800] =	vst v0;
	(pc) =	sbr.rel @p0 .LBB2_1-.Ltmp6, $4  }
0x76: {  	[hbm4b:s7+s4] =	stream.linear.scatter [tilespmem:s17], [sflag:$0x1B], $0x200, $0x38;
	[tilespmem:$0x6C50] =	vst v63  }
0x77: {  	_ =	swait.ge [sflag:s11], $0x200  }
0x78: {  	[sflag:s11] =	ssyncset.done $0x0  }
0x79: {  	[sflag:s11] =	ssyncadd.s32 $0xFFFFFE00  }
0x7a: {  	_ =	sfence.sel $0x180000  }
0x7b: {  	[bflag:$0x0] =	sbarrier.arrive $0xFFFF  }
0x7c: {  	p0 =	sne.s32 s2, $0x0;
	_ =	strace $0x90000047  }
0x7d: {  	s0 =	sadd.s32 @!p0 $0x100000, s0;
	[bflag:$0x2] =	sbarrier.arrive $0xFFFF  }
0x7e: {  	[sflag:s0] =	ssyncadd.tile.s32 @!p0 $0x1;
	_ =	shalt  }
.Lfunc_end2:
_tile_overlayer_lowered:
.L_overlay_start_2:
0x7f: {  	(tag) =	ssettag $0x2  }
0x80: {  	s0 =	rddreg [dreg:$0x0];
	s2 =	stileid.u32  }
0x81: {  	s1 =	rddreg [dreg:$0x1];
	p0 =	sne.s32 s2, $0x0  }
0x82: {  	s3 =	rddreg [dreg:$0x2];
	[bflag:$0x3] =	sbarrier.arrive $0xFFFF;
	s2 =	simm.s32 @!p0 $0x1C1B  }
0x83: {  	[timem:s3], [sflag:s2] =	dma.local @!p0 [hbm:s0], s1  }
0x84: {  	s0 =	simm.s32 @!p0 $0x1B  }
0x85: {  	_ =	swait.ge @!p0 [sflag:s0], s1  }
0x86: {  	s1 =	ssub.s32 @!p0 $0x0, s1;
	[sflag:s0] =	ssyncset.done @!p0 $0x0  }
0x87: {  	[sflag:s0] =	ssyncadd.s32 @!p0 s1  }
0x88: {  	[bflag:$0x3] =	sbarrier.arrive $0xFFFF  }
0x89: {  	_ =	shalt  }

</sc_bundles>
